<compile_context>
chip_gen: v7x
topology: tpu7x:2x2x1
jax: 0.10.2.dev20260603
libtpu: 0.0.44.dev20260713+nightly
codegen_flags: <defaults>
</compile_context>

<pallas_src>
import functools

import jax
import jax.numpy as jnp
from jax import lax
from jax.experimental import pallas as pl
from jax.experimental.pallas import tpu as pltpu
from jax.experimental.pallas import tpu_sc as plsc

N = 10000
F = 128
FE = 144
E = 320000
NC, NS = 2, 16
NW = NC * NS
CH = 128
EPW = 10112
EPAD = NW * EPW
NCH = EPW // CH
NPAD = 10240
RPT = NPAD // NS



def _q_body(x_ref, qwT_ref, qb_ref, o_ref):
    h = jnp.dot(x_ref[...], qwT_ref[...], preferred_element_type=jnp.float32)
    h = h + qb_ref[...]
    h = jnp.where(h >= 0, h, 0.01 * h)
    col = lax.broadcasted_iota(jnp.int32, (h.shape[0], FE - F), 1)
    pad = jnp.where(col == 0, 1.0, 0.0).astype(jnp.float32)
    o_ref[...] = jnp.concatenate([h, pad], axis=1)


def _transform_q(x, Q_w, Q_b):
    blk = 400
    grid = N // blk
    return pl.pallas_call(
        _q_body,
        grid=(grid,),
        in_specs=[
            pl.BlockSpec((blk, F), lambda i: (i, 0)),
            pl.BlockSpec((F, F), lambda i: (0, 0)),
            pl.BlockSpec((1, F), lambda i: (0, 0)),
        ],
        out_specs=pl.BlockSpec((blk, FE), lambda i: (i, 0)),
        out_shape=jax.ShapeDtypeStruct((N, FE), jnp.float32),
    )(x, Q_w.T, Q_b[None, :])



def _sc_body(src_hbm, dst_hbm, ppr_hbm, ht_hbm, z_hbm, out_hbm,
             src_v, dst_v, ppr_v, rows_v, hagg_sh, sem):
    c = lax.axis_index("c")
    s = lax.axis_index("s")
    wid = c * NS + s
    pltpu.sync_copy(z_hbm, hagg_sh.at[pl.ds(s * RPT, RPT)])
    plsc.subcore_barrier()

    iota = lax.iota(jnp.int32, 16)
    base = wid * EPW

    def chunk(j, carry):
        off = base + j * CH
        pltpu.sync_copy(src_hbm.at[pl.ds(off, CH)], src_v)
        pltpu.sync_copy(dst_hbm.at[pl.ds(off, CH)], dst_v)
        pltpu.sync_copy(ppr_hbm.at[pl.ds(off, CH)], ppr_v)
        pltpu.async_copy(ht_hbm.at[src_v], rows_v, sem).wait()

        pvs = [ppr_v[pl.ds(g * 16, 16)] for g in range(CH // 16)]
        idx0s = [iota + (g * 16) for g in range(CH // 16)]

        def col(cc, carry2):
            ccv = jnp.full((16,), 0, jnp.int32) + cc
            for g in range(CH // 16):
                vals = plsc.load_gather(rows_v, [idx0s[g], ccv])
                plsc.store_scatter(rows_v, [idx0s[g], ccv], vals * pvs[g])
            return carry2

        lax.fori_loop(0, FE, col, 0)
        pltpu.sync_copy(rows_v, hagg_sh.at[dst_v], add=True)
        return carry

    lax.fori_loop(0, NCH, chunk, 0)
    plsc.subcore_barrier()
    pltpu.sync_copy(hagg_sh.at[pl.ds(s * RPT, RPT)],
                    out_hbm.at[c, pl.ds(s * RPT, RPT)])


def _aggregate_sc(src, dst, ppr, ht, z):
    mesh = plsc.VectorSubcoreMesh(core_axis_name="c", subcore_axis_name="s")
    fn = pl.kernel(
        _sc_body,
        out_type=jax.ShapeDtypeStruct((NC, NPAD, FE), jnp.float32),
        mesh=mesh,
        scratch_types=[
            pltpu.VMEM((CH,), jnp.int32),
            pltpu.VMEM((CH,), jnp.int32),
            pltpu.VMEM((CH,), jnp.float32),
            pltpu.VMEM((CH, FE), jnp.float32),
            pltpu.VMEM_SHARED((NPAD, FE), jnp.float32),
            pltpu.SemaphoreType.DMA,
        ],
        compiler_params=pltpu.CompilerParams(use_tc_tiling_on_sc=False, needs_layout_passes=False),
    )
    return fn(src, dst, ppr, ht, z)



def _fin_body(x_ref, hp_ref, wxT_ref, whT_ref, wb_ref, o_ref):
    hp = hp_ref[0] + hp_ref[1]
    w = hp[:, F:F + 1]
    hagg = hp[:, :F] / jnp.where(w == 0, 1.0, w)
    acc = jnp.dot(x_ref[...], wxT_ref[...], preferred_element_type=jnp.float32)
    acc = acc + jnp.dot(hagg, whT_ref[...], preferred_element_type=jnp.float32)
    acc = acc + wb_ref[...]
    hnew = jnp.where(acc >= 0, acc, 0.01 * acc)
    nrm = jnp.sqrt(jnp.sum(hnew * hnew, axis=1, keepdims=True))
    o_ref[...] = hnew / jnp.where(nrm == 0, 1.0, nrm)


def _finalize(x, hp, W_w, W_b):
    blk = 400
    grid = N // blk
    return pl.pallas_call(
        _fin_body,
        grid=(grid,),
        in_specs=[
            pl.BlockSpec((blk, F), lambda i: (i, 0)),
            pl.BlockSpec((NC, blk, FE), lambda i: (0, i, 0)),
            pl.BlockSpec((F, F), lambda i: (0, 0)),
            pl.BlockSpec((F, F), lambda i: (0, 0)),
            pl.BlockSpec((1, F), lambda i: (0, 0)),
        ],
        out_specs=pl.BlockSpec((blk, F), lambda i: (i, 0)),
        out_shape=jax.ShapeDtypeStruct((N, F), jnp.float32),
    )(x, hp, W_w[:, :F].T, W_w[:, F:].T, W_b[None, :])


def kernel(x, edge_index, ppr_weight, Q_w, Q_b, W_w, W_b):
    src = edge_index[0].astype(jnp.int32)
    dst = edge_index[1].astype(jnp.int32)
    padn = EPAD - E
    src = jnp.pad(src, (0, padn))
    dst = jnp.pad(dst, (0, padn))
    ppr = jnp.pad(ppr_weight.astype(jnp.float32), (0, padn))
    ht = _transform_q(x, Q_w, Q_b)
    z = jnp.zeros((RPT, FE), jnp.float32)
    hp = _aggregate_sc(src, dst, ppr, ht, z)
    return _finalize(x, hp, W_w, W_b)

# --- scband reference (transcript-rebuilt; emitter-appended) ---
"""Pipeline reference for scband-pin-sage-conv-3977139716599 (READ-ONLY COPY).

The authoritative reference and input builder live on the scoring server;
editing this copy changes nothing except your own understanding.
"""

import jax, jax.numpy as jnp
import numpy as np

IN_F = 128
HID_F = 128
OUT_F = 128
N_NODES = 10000
N_EDGES = 320000

def setup_inputs(seed: int = 0) -> dict:
    key = jax.random.key(seed)
    k_x, k_ei, k_w, k_qw, k_ww = (jax.random.fold_in(key, i) for i in range(5))
    x = jax.random.normal(k_x, (N_NODES, IN_F), dtype=jnp.float32)
    edge_index = jax.random.randint(k_ei, (2, N_EDGES), 0, N_NODES, dtype=jnp.int64)
    ppr_weight = jax.random.uniform(k_w, (N_EDGES,), dtype=jnp.float32)
    # xavier_uniform with leaky_relu gain for Q: [hidden, in]
    gain = float(np.sqrt(2.0 / (1.0 + 0.01 ** 2)))
    limQ = gain * float(np.sqrt(6.0 / (IN_F + HID_F)))
    Q_w = jax.random.uniform(k_qw, (HID_F, IN_F), minval=-limQ, maxval=limQ, dtype=jnp.float32)
    Q_b = jnp.zeros((HID_F,), dtype=jnp.float32)
    limW = gain * float(np.sqrt(6.0 / (IN_F + HID_F + OUT_F)))
    W_w = jax.random.uniform(k_ww, (OUT_F, IN_F + HID_F), minval=-limW, maxval=limW, dtype=jnp.float32)
    W_b = jnp.zeros((OUT_F,), dtype=jnp.float32)
    return {"x": x, "edge_index": edge_index, "ppr_weight": ppr_weight,
            "Q_w": Q_w, "Q_b": Q_b, "W_w": W_w, "W_b": W_b}

def _safediv(a, b):
    b = jnp.where(b == 0, jnp.ones_like(b), b)
    return a / b

def reference(x, edge_index, ppr_weight, Q_w, Q_b, W_w, W_b):
    src = edge_index[0]
    dst = edge_index[1]
    # neighbor transform: h = leaky_relu(Q(x))
    h = jax.nn.leaky_relu(x @ Q_w.T + Q_b, negative_slope=0.01)
    # message: src h * ppr_weight; copy ppr_weight
    h_w = h[src] * ppr_weight[:, None]
    # reduce: sum over dst
    h_agg = jnp.zeros((x.shape[0], h.shape[1]), dtype=x.dtype).at[dst].add(h_w)
    w = jnp.zeros((x.shape[0],), dtype=x.dtype).at[dst].add(ppr_weight)
    # apply
    h_agg = _safediv(h_agg, w[:, None])
    h_concat = jnp.concatenate([x, h_agg], axis=1)
    h_new = jax.nn.leaky_relu(h_concat @ W_w.T + W_b, negative_slope=0.01)
    norm = jnp.linalg.norm(h_new, axis=1, keepdims=True)
    h_new = _safediv(h_new, norm)
    return h_new

if __name__ == "__main__":
    import jax
    _d = setup_inputs()
    print(jax.jit(kernel)(*tuple(_d.values())))

</pallas_src>

<mosaic_0001>
#map = affine_map<(d0, d1) -> (0)>
#map1 = affine_map<(d0, d1) -> (0, 0)>
#map2 = affine_map<(d0, d1) -> (0, 0, 0)>
module attributes {stable_mosaic.version = 14 : i64} {
  func.func @_sc_body(%arg0: i32, %arg1: i32, %arg2: memref<323584xi32, #tpu.memory_space<hbm>>, %arg3: memref<323584xi32, #tpu.memory_space<hbm>>, %arg4: memref<323584xf32, #tpu.memory_space<hbm>>, %arg5: memref<10000x144xf32, #tpu.memory_space<hbm>>, %arg6: memref<640x144xf32, #tpu.memory_space<hbm>>, %arg7: memref<2x10240x144xf32, #tpu.memory_space<hbm>>, %arg8: memref<128xi32, #tpu.memory_space<vmem>>, %arg9: memref<128xi32, #tpu.memory_space<vmem>>, %arg10: memref<128xf32, #tpu.memory_space<vmem>>, %arg11: memref<128x144xf32, #tpu.memory_space<vmem>>, %arg12: memref<10240x144xf32, #tpu.memory_space<vmem_shared>>, %arg13: memref<!tpu.dma_semaphore, #tpu.memory_space<semaphore_mem>>) attributes {dimension_semantics = [#tpu.dimension_semantics<core_parallel>, #tpu.dimension_semantics<subcore_parallel>], iteration_bounds = array<i64: 2, 16>, scalar_prefetch = 0 : i64, scratch_operands = 6 : i64, tpu.core_type = #tpu.core_type<sc_vector_subcore>, window_params = [{transform_indices = #map}, {transform_indices = #map}, {transform_indices = #map}, {transform_indices = #map1}, {transform_indices = #map1}, {transform_indices = #map2}]} {
    %mul3A = arith.constant 16 : i32
    %mul3A_0 = arith.muli %arg0, %mul3A : i32
    %add3A = arith.addi %mul3A_0, %arg1 : i32
    %mul3A_1 = arith.constant 640 : i32
    %mul3A_2 = arith.muli %arg1, %mul3A_1 : i32
    "tpu.region"() ({
      %run_scoped3A = tpu.sem_alloc : memref<!tpu.dma_semaphore, #tpu.memory_space<semaphore_mem>>
      %dma_start3A = arith.constant 0 : i32
      %dma_start3A_15 = tpu.memref_slice %arg12[%mul3A_2, %dma_start3A] : memref<10240x144xf32, #tpu.memory_space<vmem_shared>> -> memref<640x144xf32, #tpu.memory_space<vmem_shared>>
      tpu.enqueue_dma source(%arg6 : memref<640x144xf32, #tpu.memory_space<hbm>>) target(%dma_start3A_15 : memref<640x144xf32, #tpu.memory_space<vmem_shared>>) target_semaphore(%run_scoped3A : memref<!tpu.dma_semaphore, #tpu.memory_space<semaphore_mem>>)
      %dma_wait3A = arith.constant 0 : i32
      %dma_wait3A_16 = tpu.memref_slice %arg12[%mul3A_2, %dma_wait3A] : memref<10240x144xf32, #tpu.memory_space<vmem_shared>> -> memref<640x144xf32, #tpu.memory_space<vmem_shared>>
      tpu.wait_dma2 semaphore(%run_scoped3A : memref<!tpu.dma_semaphore, #tpu.memory_space<semaphore_mem>>) src(%arg6 : memref<640x144xf32, #tpu.memory_space<hbm>>) dst(%dma_wait3A_16 : memref<640x144xf32, #tpu.memory_space<vmem_shared>>)
      tpu.yield
    }) : () -> ()
    %barrier3A = arith.constant 0 : index
    tpu.barrier barrier_id(%barrier3A)
    %iota3A = tpu.iota {dimensions = array<i32: 0>} : vector<16xi32>
    %mul3A_3 = arith.constant 10112 : i32
    %mul3A_4 = arith.muli %add3A, %mul3A_3 : i32
    %scan3A = arith.constant 0 : i32
    %scan3A_5 = arith.constant 0 : i32
    %scan3A_6 = arith.constant 79 : i32
    %scan3A_7 = arith.addi %scan3A_5, %scan3A_6 : i32
    %scan3A_8 = arith.constant 1 : i32
    scf.for %scan3A_15 = %scan3A_5 to %scan3A_7 step %scan3A_8  : i32 {
      %mul3A_16 = arith.constant 128 : i32
      %mul3A_17 = arith.muli %scan3A_15, %mul3A_16 : i32
      %add3A_18 = arith.addi %mul3A_4, %mul3A_17 : i32
      "tpu.region"() ({
        %run_scoped3A = tpu.sem_alloc : memref<!tpu.dma_semaphore, #tpu.memory_space<semaphore_mem>>
        %dma_start3A_68 = tpu.memref_slice %arg2[%add3A_18] : memref<323584xi32, #tpu.memory_space<hbm>> -> memref<128xi32, #tpu.memory_space<hbm>>
        %dma_start3A_69 = tpu.memref_slice %arg2[%add3A_18] : memref<323584xi32, #tpu.memory_space<hbm>> -> memref<128xi32, #tpu.memory_space<hbm>>
        tpu.enqueue_dma source(%dma_start3A_69 : memref<128xi32, #tpu.memory_space<hbm>>) target(%arg8 : memref<128xi32, #tpu.memory_space<vmem>>) target_semaphore(%run_scoped3A : memref<!tpu.dma_semaphore, #tpu.memory_space<semaphore_mem>>)
        %dma_wait3A_70 = tpu.memref_slice %arg2[%add3A_18] : memref<323584xi32, #tpu.memory_space<hbm>> -> memref<128xi32, #tpu.memory_space<hbm>>
        %dma_wait3A_71 = tpu.memref_slice %arg2[%add3A_18] : memref<323584xi32, #tpu.memory_space<hbm>> -> memref<128xi32, #tpu.memory_space<hbm>>
        tpu.wait_dma2 semaphore(%run_scoped3A : memref<!tpu.dma_semaphore, #tpu.memory_space<semaphore_mem>>) src(%dma_wait3A_71 : memref<128xi32, #tpu.memory_space<hbm>>) dst(%arg8 : memref<128xi32, #tpu.memory_space<vmem>>)
        tpu.yield
      }) : () -> ()
      "tpu.region"() ({
        %run_scoped3A = tpu.sem_alloc : memref<!tpu.dma_semaphore, #tpu.memory_space<semaphore_mem>>
        %dma_start3A_68 = tpu.memref_slice %arg3[%add3A_18] : memref<323584xi32, #tpu.memory_space<hbm>> -> memref<128xi32, #tpu.memory_space<hbm>>
        %dma_start3A_69 = tpu.memref_slice %arg3[%add3A_18] : memref<323584xi32, #tpu.memory_space<hbm>> -> memref<128xi32, #tpu.memory_space<hbm>>
        tpu.enqueue_dma source(%dma_start3A_69 : memref<128xi32, #tpu.memory_space<hbm>>) target(%arg9 : memref<128xi32, #tpu.memory_space<vmem>>) target_semaphore(%run_scoped3A : memref<!tpu.dma_semaphore, #tpu.memory_space<semaphore_mem>>)
        %dma_wait3A_70 = tpu.memref_slice %arg3[%add3A_18] : memref<323584xi32, #tpu.memory_space<hbm>> -> memref<128xi32, #tpu.memory_space<hbm>>
        %dma_wait3A_71 = tpu.memref_slice %arg3[%add3A_18] : memref<323584xi32, #tpu.memory_space<hbm>> -> memref<128xi32, #tpu.memory_space<hbm>>
        tpu.wait_dma2 semaphore(%run_scoped3A : memref<!tpu.dma_semaphore, #tpu.memory_space<semaphore_mem>>) src(%dma_wait3A_71 : memref<128xi32, #tpu.memory_space<hbm>>) dst(%arg9 : memref<128xi32, #tpu.memory_space<vmem>>)
        tpu.yield
      }) : () -> ()
      "tpu.region"() ({
        %run_scoped3A = tpu.sem_alloc : memref<!tpu.dma_semaphore, #tpu.memory_space<semaphore_mem>>
        %dma_start3A_68 = tpu.memref_slice %arg4[%add3A_18] : memref<323584xf32, #tpu.memory_space<hbm>> -> memref<128xf32, #tpu.memory_space<hbm>>
        %dma_start3A_69 = tpu.memref_slice %arg4[%add3A_18] : memref<323584xf32, #tpu.memory_space<hbm>> -> memref<128xf32, #tpu.memory_space<hbm>>
        tpu.enqueue_dma source(%dma_start3A_69 : memref<128xf32, #tpu.memory_space<hbm>>) target(%arg10 : memref<128xf32, #tpu.memory_space<vmem>>) target_semaphore(%run_scoped3A : memref<!tpu.dma_semaphore, #tpu.memory_space<semaphore_mem>>)
        %dma_wait3A_70 = tpu.memref_slice %arg4[%add3A_18] : memref<323584xf32, #tpu.memory_space<hbm>> -> memref<128xf32, #tpu.memory_space<hbm>>
        %dma_wait3A_71 = tpu.memref_slice %arg4[%add3A_18] : memref<323584xf32, #tpu.memory_space<hbm>> -> memref<128xf32, #tpu.memory_space<hbm>>
        tpu.wait_dma2 semaphore(%run_scoped3A : memref<!tpu.dma_semaphore, #tpu.memory_space<semaphore_mem>>) src(%dma_wait3A_71 : memref<128xf32, #tpu.memory_space<hbm>>) dst(%arg10 : memref<128xf32, #tpu.memory_space<vmem>>)
        tpu.yield
      }) : () -> ()
      %dma_start3A = arith.constant 0 : i32
      %dma_start3A_19 = arith.constant 0 : i32
      %dma_start3A_20 = tpu.memref_slice %arg5[%dma_start3A, %dma_start3A_19] : memref<10000x144xf32, #tpu.memory_space<hbm>> -> memref<10000x144xf32, #tpu.memory_space<hbm>>
      tpu.enqueue_indirect_dma source(%dma_start3A_20 : memref<10000x144xf32, #tpu.memory_space<hbm>>) target(%arg11 : memref<128x144xf32, #tpu.memory_space<vmem>>) offsets(%arg8 : memref<128xi32, #tpu.memory_space<vmem>>) semaphore(%arg13 : memref<!tpu.dma_semaphore, #tpu.memory_space<semaphore_mem>>)
      %dma_wait3A = arith.constant 0 : i32
      %dma_wait3A_21 = arith.constant 0 : i32
      %dma_wait3A_22 = tpu.memref_slice %arg5[%dma_wait3A, %dma_wait3A_21] : memref<10000x144xf32, #tpu.memory_space<hbm>> -> memref<10000x144xf32, #tpu.memory_space<hbm>>
      tpu.wait_indirect_dma semaphore(%arg13 : memref<!tpu.dma_semaphore, #tpu.memory_space<semaphore_mem>>) src(%dma_wait3A_22 : memref<10000x144xf32, #tpu.memory_space<hbm>>) dst(%arg11 : memref<128x144xf32, #tpu.memory_space<vmem>>)
      %get3A = arith.constant 0 : index
      %get3A_23 = tpu.vector_load %arg10[%get3A] {strides = array<i32>} : memref<128xf32, #tpu.memory_space<vmem>>, vector<16xf32>,
      %get3A_24 = arith.constant 16 : index
      %get3A_25 = tpu.vector_load %arg10[%get3A_24] {strides = array<i32>} : memref<128xf32, #tpu.memory_space<vmem>>, vector<16xf32>,
      %get3A_26 = arith.constant 32 : index
      %get3A_27 = tpu.vector_load %arg10[%get3A_26] {strides = array<i32>} : memref<128xf32, #tpu.memory_space<vmem>>, vector<16xf32>,
      %get3A_28 = arith.constant 48 : index
      %get3A_29 = tpu.vector_load %arg10[%get3A_28] {strides = array<i32>} : memref<128xf32, #tpu.memory_space<vmem>>, vector<16xf32>,
      %get3A_30 = arith.constant 64 : index
      %get3A_31 = tpu.vector_load %arg10[%get3A_30] {strides = array<i32>} : memref<128xf32, #tpu.memory_space<vmem>>, vector<16xf32>,
      %get3A_32 = arith.constant 80 : index
      %get3A_33 = tpu.vector_load %arg10[%get3A_32] {strides = array<i32>} : memref<128xf32, #tpu.memory_space<vmem>>, vector<16xf32>,
      %get3A_34 = arith.constant 96 : index
      %get3A_35 = tpu.vector_load %arg10[%get3A_34] {strides = array<i32>} : memref<128xf32, #tpu.memory_space<vmem>>, vector<16xf32>,
      %get3A_36 = arith.constant 112 : index
      %get3A_37 = tpu.vector_load %arg10[%get3A_36] {strides = array<i32>} : memref<128xf32, #tpu.memory_space<vmem>>, vector<16xf32>,
      %add3A_38 = arith.constant 0 : i32
      %add3A_39 = vector.broadcast %add3A_38 : i32 to vector<16xi32>
      %add3A_40 = arith.addi %iota3A, %add3A_39 : vector<16xi32>
      %add3A_41 = arith.constant 16 : i32
      %add3A_42 = vector.broadcast %add3A_41 : i32 to vector<16xi32>
      %add3A_43 = arith.addi %iota3A, %add3A_42 : vector<16xi32>
      %add3A_44 = arith.constant 32 : i32
      %add3A_45 = vector.broadcast %add3A_44 : i32 to vector<16xi32>
      %add3A_46 = arith.addi %iota3A, %add3A_45 : vector<16xi32>
      %add3A_47 = arith.constant 48 : i32
      %add3A_48 = vector.broadcast %add3A_47 : i32 to vector<16xi32>
      %add3A_49 = arith.addi %iota3A, %add3A_48 : vector<16xi32>
      %add3A_50 = arith.constant 64 : i32
      %add3A_51 = vector.broadcast %add3A_50 : i32 to vector<16xi32>
      %add3A_52 = arith.addi %iota3A, %add3A_51 : vector<16xi32>
      %add3A_53 = arith.constant 80 : i32
      %add3A_54 = vector.broadcast %add3A_53 : i32 to vector<16xi32>
      %add3A_55 = arith.addi %iota3A, %add3A_54 : vector<16xi32>
      %add3A_56 = arith.constant 96 : i32
      %add3A_57 = vector.broadcast %add3A_56 : i32 to vector<16xi32>
      %add3A_58 = arith.addi %iota3A, %add3A_57 : vector<16xi32>
      %add3A_59 = arith.constant 112 : i32
      %add3A_60 = vector.broadcast %add3A_59 : i32 to vector<16xi32>
      %add3A_61 = arith.addi %iota3A, %add3A_60 : vector<16xi32>
      %scan3A_62 = arith.constant 0 : i32
      %scan3A_63 = arith.constant 0 : i32
      %scan3A_64 = arith.constant 144 : i32
      %scan3A_65 = arith.addi %scan3A_63, %scan3A_64 : i32
      %scan3A_66 = arith.constant 1 : i32
      scf.for %scan3A_68 = %scan3A_63 to %scan3A_65 step %scan3A_66  : i32 {
        %broadcast_in_dim3A = arith.constant 0 : i32
        %broadcast_in_dim3A_69 = vector.broadcast %broadcast_in_dim3A : i32 to vector<16xi32>
        %add3A_70 = vector.broadcast %scan3A_68 : i32 to vector<16xi32>
        %add3A_71 = arith.addi %broadcast_in_dim3A_69, %add3A_70 : vector<16xi32>
        %gather3A = tpu.vector_load_idx %arg11[%add3A_40, %add3A_71] : memref<128x144xf32, #tpu.memory_space<vmem>>[vector<16xi32>, vector<16xi32>], vector<16xf32>,
        %mul3A_72 = arith.mulf %gather3A, %get3A_23 : vector<16xf32>
        tpu.vector_store_idx %arg11[%add3A_40, %add3A_71], %mul3A_72 : memref<128x144xf32, #tpu.memory_space<vmem>>[vector<16xi32>, vector<16xi32>], vector<16xf32>,
        %gather3A_73 = tpu.vector_load_idx %arg11[%add3A_43, %add3A_71] : memref<128x144xf32, #tpu.memory_space<vmem>>[vector<16xi32>, vector<16xi32>], vector<16xf32>,
        %mul3A_74 = arith.mulf %gather3A_73, %get3A_25 : vector<16xf32>
        tpu.vector_store_idx %arg11[%add3A_43, %add3A_71], %mul3A_74 : memref<128x144xf32, #tpu.memory_space<vmem>>[vector<16xi32>, vector<16xi32>], vector<16xf32>,
        %gather3A_75 = tpu.vector_load_idx %arg11[%add3A_46, %add3A_71] : memref<128x144xf32, #tpu.memory_space<vmem>>[vector<16xi32>, vector<16xi32>], vector<16xf32>,
        %mul3A_76 = arith.mulf %gather3A_75, %get3A_27 : vector<16xf32>
        tpu.vector_store_idx %arg11[%add3A_46, %add3A_71], %mul3A_76 : memref<128x144xf32, #tpu.memory_space<vmem>>[vector<16xi32>, vector<16xi32>], vector<16xf32>,
        %gather3A_77 = tpu.vector_load_idx %arg11[%add3A_49, %add3A_71] : memref<128x144xf32, #tpu.memory_space<vmem>>[vector<16xi32>, vector<16xi32>], vector<16xf32>,
        %mul3A_78 = arith.mulf %gather3A_77, %get3A_29 : vector<16xf32>
        tpu.vector_store_idx %arg11[%add3A_49, %add3A_71], %mul3A_78 : memref<128x144xf32, #tpu.memory_space<vmem>>[vector<16xi32>, vector<16xi32>], vector<16xf32>,
        %gather3A_79 = tpu.vector_load_idx %arg11[%add3A_52, %add3A_71] : memref<128x144xf32, #tpu.memory_space<vmem>>[vector<16xi32>, vector<16xi32>], vector<16xf32>,
        %mul3A_80 = arith.mulf %gather3A_79, %get3A_31 : vector<16xf32>
        tpu.vector_store_idx %arg11[%add3A_52, %add3A_71], %mul3A_80 : memref<128x144xf32, #tpu.memory_space<vmem>>[vector<16xi32>, vector<16xi32>], vector<16xf32>,
        %gather3A_81 = tpu.vector_load_idx %arg11[%add3A_55, %add3A_71] : memref<128x144xf32, #tpu.memory_space<vmem>>[vector<16xi32>, vector<16xi32>], vector<16xf32>,
        %mul3A_82 = arith.mulf %gather3A_81, %get3A_33 : vector<16xf32>
        tpu.vector_store_idx %arg11[%add3A_55, %add3A_71], %mul3A_82 : memref<128x144xf32, #tpu.memory_space<vmem>>[vector<16xi32>, vector<16xi32>], vector<16xf32>,
        %gather3A_83 = tpu.vector_load_idx %arg11[%add3A_58, %add3A_71] : memref<128x144xf32, #tpu.memory_space<vmem>>[vector<16xi32>, vector<16xi32>], vector<16xf32>,
        %mul3A_84 = arith.mulf %gather3A_83, %get3A_35 : vector<16xf32>
        tpu.vector_store_idx %arg11[%add3A_58, %add3A_71], %mul3A_84 : memref<128x144xf32, #tpu.memory_space<vmem>>[vector<16xi32>, vector<16xi32>], vector<16xf32>,
        %gather3A_85 = tpu.vector_load_idx %arg11[%add3A_61, %add3A_71] : memref<128x144xf32, #tpu.memory_space<vmem>>[vector<16xi32>, vector<16xi32>], vector<16xf32>,
        %mul3A_86 = arith.mulf %gather3A_85, %get3A_37 : vector<16xf32>
        tpu.vector_store_idx %arg11[%add3A_61, %add3A_71], %mul3A_86 : memref<128x144xf32, #tpu.memory_space<vmem>>[vector<16xi32>, vector<16xi32>], vector<16xf32>,
      }
      %scan3A_67 = arith.constant 144 : i32
      "tpu.region"() ({
        %run_scoped3A = tpu.sem_alloc : memref<!tpu.dma_semaphore, #tpu.memory_space<semaphore_mem>>
        %dma_start3A_68 = arith.constant 0 : i32
        %dma_start3A_69 = arith.constant 0 : i32
        %dma_start3A_70 = tpu.memref_slice %arg12[%dma_start3A_68, %dma_start3A_69] : memref<10240x144xf32, #tpu.memory_space<vmem_shared>> -> memref<10240x144xf32, #tpu.memory_space<vmem_shared>>
        tpu.enqueue_indirect_dma source(%arg11 : memref<128x144xf32, #tpu.memory_space<vmem>>) target(%dma_start3A_70 : memref<10240x144xf32, #tpu.memory_space<vmem_shared>>) offsets(%arg9 : memref<128xi32, #tpu.memory_space<vmem>>) semaphore(%run_scoped3A : memref<!tpu.dma_semaphore, #tpu.memory_space<semaphore_mem>>) {add = true}
        %dma_wait3A_71 = arith.constant 0 : i32
        %dma_wait3A_72 = arith.constant 0 : i32
        %dma_wait3A_73 = tpu.memref_slice %arg12[%dma_wait3A_71, %dma_wait3A_72] : memref<10240x144xf32, #tpu.memory_space<vmem_shared>> -> memref<10240x144xf32, #tpu.memory_space<vmem_shared>>
        tpu.wait_indirect_dma semaphore(%run_scoped3A : memref<!tpu.dma_semaphore, #tpu.memory_space<semaphore_mem>>) src(%arg11 : memref<128x144xf32, #tpu.memory_space<vmem>>) dst(%dma_wait3A_73 : memref<10240x144xf32, #tpu.memory_space<vmem_shared>>)
        tpu.yield
      }) : () -> ()
    }
    %scan3A_9 = arith.constant 79 : i32
    %barrier3A_10 = arith.constant 0 : index
    tpu.barrier barrier_id(%barrier3A_10)
    %mul3A_11 = arith.constant 640 : i32
    %mul3A_12 = arith.muli %arg1, %mul3A_11 : i32
    %mul3A_13 = arith.constant 640 : i32
    %mul3A_14 = arith.muli %arg1, %mul3A_13 : i32
    "tpu.region"() ({
      %run_scoped3A = tpu.sem_alloc : memref<!tpu.dma_semaphore, #tpu.memory_space<semaphore_mem>>
      %dma_start3A = arith.constant 0 : i32
      %dma_start3A_15 = tpu.memref_slice %arg7[%arg0, %mul3A_14, %dma_start3A] : memref<2x10240x144xf32, #tpu.memory_space<hbm>> -> memref<1x640x144xf32, #tpu.memory_space<hbm>>
      %dma_start3A_16 = tpu.memref_squeeze %dma_start3A_15 : memref<1x640x144xf32, #tpu.memory_space<hbm>> -> memref<640x144xf32, #tpu.memory_space<hbm>>
      %dma_start3A_17 = arith.constant 0 : i32
      %dma_start3A_18 = tpu.memref_slice %arg12[%mul3A_12, %dma_start3A_17] : memref<10240x144xf32, #tpu.memory_space<vmem_shared>> -> memref<640x144xf32, #tpu.memory_space<vmem_shared>>
      tpu.enqueue_dma source(%dma_start3A_18 : memref<640x144xf32, #tpu.memory_space<vmem_shared>>) target(%dma_start3A_16 : memref<640x144xf32, #tpu.memory_space<hbm>>) target_semaphore(%run_scoped3A : memref<!tpu.dma_semaphore, #tpu.memory_space<semaphore_mem>>)
      %dma_wait3A = arith.constant 0 : i32
      %dma_wait3A_19 = tpu.memref_slice %arg7[%arg0, %mul3A_14, %dma_wait3A] : memref<2x10240x144xf32, #tpu.memory_space<hbm>> -> memref<1x640x144xf32, #tpu.memory_space<hbm>>
      %dma_wait3A_20 = tpu.memref_squeeze %dma_wait3A_19 : memref<1x640x144xf32, #tpu.memory_space<hbm>> -> memref<640x144xf32, #tpu.memory_space<hbm>>
      %dma_wait3A_21 = arith.constant 0 : i32
      %dma_wait3A_22 = tpu.memref_slice %arg12[%mul3A_12, %dma_wait3A_21] : memref<10240x144xf32, #tpu.memory_space<vmem_shared>> -> memref<640x144xf32, #tpu.memory_space<vmem_shared>>
      tpu.wait_dma2 semaphore(%run_scoped3A : memref<!tpu.dma_semaphore, #tpu.memory_space<semaphore_mem>>) src(%dma_wait3A_22 : memref<640x144xf32, #tpu.memory_space<vmem_shared>>) dst(%dma_wait3A_20 : memref<640x144xf32, #tpu.memory_space<hbm>>)
      tpu.yield
    }) : () -> ()
    return
  }
}

module attributes {stable_mosaic.version = 14 : i64} {
  func.func @_q_body(%arg0: i32, %arg1: memref<400x128xf32, #tpu.memory_space<vmem>>, %arg2: memref<128x128xf32, #tpu.memory_space<vmem>>, %arg3: memref<1x128xf32, #tpu.memory_space<vmem>>, %arg4: memref<400x144xf32, #tpu.memory_space<vmem>>) attributes {dimension_semantics = [#tpu.dimension_semantics<arbitrary>], iteration_bounds = array<i64: 25>, scalar_prefetch = 0 : i64, scratch_operands = 0 : i64, tpu.core_type = #tpu.core_type<tc>, window_params = [{transform_indices = @transform_0, window_bounds = array<i64: 400, 128>}, {pipeline_mode = #tpu.pipeline_mode<synchronous>, transform_indices = @transform_1, window_bounds = array<i64: 128, 128>}, {pipeline_mode = #tpu.pipeline_mode<synchronous>, transform_indices = @transform_2, window_bounds = array<i64: 1, 128>}, {transform_indices = @transform_3, window_bounds = array<i64: 400, 144>}]} {
    %get3A = arith.constant 0 : index
    %get3A_0 = arith.constant 0 : index
    %get3A_1 = vector.load %arg1[%get3A, %get3A_0] : memref<400x128xf32, #tpu.memory_space<vmem>>, vector<400x128xf32>
    %get3A_2 = arith.constant 0 : index
    %get3A_3 = arith.constant 0 : index
    %get3A_4 = vector.load %arg2[%get3A_2, %get3A_3] : memref<128x128xf32, #tpu.memory_space<vmem>>, vector<128x128xf32>
    %dot_general3A = arith.constant dense<0.000000e+00> : vector<400x128xf32>
    %dot_general3A_5 = tpu.matmul %get3A_1, %get3A_4, %dot_general3A {dimension_numbers = #tpu.dot_dimension_numbers<[1], [0], [0], [1], [0, 0, 1, 1], [], []>, transpose_lhs_hint = false} : vector<400x128xf32>, vector<128x128xf32>, vector<400x128xf32> -> vector<400x128xf32>
    %get3A_6 = arith.constant 0 : index
    %get3A_7 = arith.constant 0 : index
    %get3A_8 = vector.load %arg3[%get3A_6, %get3A_7] : memref<1x128xf32, #tpu.memory_space<vmem>>, vector<1x128xf32>
    %add3A = vector.broadcast %get3A_8 : vector<1x128xf32> to vector<400x128xf32>
    %add3A_9 = arith.addf %dot_general3A_5, %add3A : vector<400x128xf32>
    %ge3A = arith.constant 0.000000e+00 : f32
    %ge3A_10 = vector.broadcast %ge3A : f32 to vector<400x128xf32>
    %ge3A_11 = arith.cmpf oge, %add3A_9, %ge3A_10 : vector<400x128xf32>
    %mul3A = arith.constant 0.00999999977 : f32
    %mul3A_12 = vector.broadcast %mul3A : f32 to vector<400x128xf32>
    %mul3A_13 = arith.mulf %mul3A_12, %add3A_9 : vector<400x128xf32>
    %select_n3A = arith.select %ge3A_11, %add3A_9, %mul3A_13 : vector<400x128xi1>, vector<400x128xf32>
    %iota3A = tpu.iota {dimensions = array<i32: 1>} : vector<400x16xi32>
    %eq3A = arith.constant 0 : i32
    %eq3A_14 = vector.broadcast %eq3A : i32 to vector<400x16xi32>
    %eq3A_15 = arith.cmpi eq, %iota3A, %eq3A_14 : vector<400x16xi32>
    %jit3A = arith.constant 1.000000e+00 : f32
    %jit3A_16 = arith.constant 0.000000e+00 : f32
    %broadcast_in_dim3A = vector.broadcast %jit3A : f32 to vector<400x16xf32>
    %broadcast_in_dim3A_17 = vector.broadcast %jit3A_16 : f32 to vector<400x16xf32>
    %select_n3A_18 = arith.select %eq3A_15, %broadcast_in_dim3A, %broadcast_in_dim3A_17 : vector<400x16xi1>, vector<400x16xf32>
    %concatenate3A = tpu.concatenate %select_n3A, %select_n3A_18 in 1 : vector<400x128xf32>, vector<400x16xf32> -> vector<400x144xf32>
    %swap3A = arith.constant 0 : index
    %swap3A_19 = arith.constant 0 : index
    %swap3A_20 = vector.load %arg4[%swap3A, %swap3A_19] : memref<400x144xf32, #tpu.memory_space<vmem>>, vector<400x144xf32>
    tpu.vector_store %arg4[%swap3A, %swap3A_19], %concatenate3A {strides = array<i32>} : memref<400x144xf32, #tpu.memory_space<vmem>>, vector<400x144xf32>,
    return
  }
  func.func @transform_0(%arg0: i32) -> (i32, i32) {
    %c0_i32 = arith.constant 0 : i32
    %c0_i32_0 = arith.constant 0 : i32
    return %arg0, %c0_i32 : i32, i32
  }
  func.func @transform_1(%arg0: i32) -> (i32, i32) {
    %c0_i32 = arith.constant 0 : i32
    %c0_i32_0 = arith.constant 0 : i32
    %c0_i32_1 = arith.constant 0 : i32
    return %c0_i32, %c0_i32_0 : i32, i32
  }
  func.func @transform_2(%arg0: i32) -> (i32, i32) {
    %c0_i32 = arith.constant 0 : i32
    %c0_i32_0 = arith.constant 0 : i32
    %c0_i32_1 = arith.constant 0 : i32
    return %c0_i32, %c0_i32_0 : i32, i32
  }
  func.func @transform_3(%arg0: i32) -> (i32, i32) {
    %c0_i32 = arith.constant 0 : i32
    %c0_i32_0 = arith.constant 0 : i32
    return %arg0, %c0_i32 : i32, i32
  }
}

module attributes {stable_mosaic.version = 14 : i64} {
  func.func @_fin_body(%arg0: i32, %arg1: memref<400x128xf32, #tpu.memory_space<vmem>>, %arg2: memref<2x400x144xf32, #tpu.memory_space<vmem>>, %arg3: memref<128x128xf32, #tpu.memory_space<vmem>>, %arg4: memref<128x128xf32, #tpu.memory_space<vmem>>, %arg5: memref<1x128xf32, #tpu.memory_space<vmem>>, %arg6: memref<400x128xf32, #tpu.memory_space<vmem>>) attributes {dimension_semantics = [#tpu.dimension_semantics<arbitrary>], iteration_bounds = array<i64: 25>, scalar_prefetch = 0 : i64, scratch_operands = 0 : i64, tpu.core_type = #tpu.core_type<tc>, window_params = [{transform_indices = @transform_0, window_bounds = array<i64: 400, 128>}, {transform_indices = @transform_1, window_bounds = array<i64: 2, 400, 144>}, {pipeline_mode = #tpu.pipeline_mode<synchronous>, transform_indices = @transform_2, window_bounds = array<i64: 128, 128>}, {pipeline_mode = #tpu.pipeline_mode<synchronous>, transform_indices = @transform_3, window_bounds = array<i64: 128, 128>}, {pipeline_mode = #tpu.pipeline_mode<synchronous>, transform_indices = @transform_4, window_bounds = array<i64: 1, 128>}, {transform_indices = @transform_5, window_bounds = array<i64: 400, 128>}]} {
    %get3A = arith.constant 0 : index
    %get3A_0 = arith.constant 0 : index
    %get3A_1 = arith.constant 0 : index
    %get3A_2 = vector.load %arg2[%get3A, %get3A_0, %get3A_1] : memref<2x400x144xf32, #tpu.memory_space<vmem>>, vector<1x400x144xf32>
    %get3A_3 = vector.shape_cast %get3A_2 : vector<1x400x144xf32> to vector<400x144xf32>
    %get3A_4 = arith.constant 1 : index
    %get3A_5 = arith.constant 0 : index
    %get3A_6 = arith.constant 0 : index
    %get3A_7 = vector.load %arg2[%get3A_4, %get3A_5, %get3A_6] : memref<2x400x144xf32, #tpu.memory_space<vmem>>, vector<1x400x144xf32>
    %get3A_8 = vector.shape_cast %get3A_7 : vector<1x400x144xf32> to vector<400x144xf32>
    %add3A = arith.addf %get3A_3, %get3A_8 : vector<400x144xf32>
    %slice3A = vector.extract_strided_slice %add3A {offsets = [0, 128], sizes = [400, 1], strides = [1, 1]} : vector<400x144xf32> to vector<400x1xf32>
    %slice3A_9 = vector.extract_strided_slice %add3A {offsets = [0, 0], sizes = [400, 128], strides = [1, 1]} : vector<400x144xf32> to vector<400x128xf32>
    %eq3A = arith.constant 0.000000e+00 : f32
    %eq3A_10 = vector.broadcast %eq3A : f32 to vector<400x1xf32>
    %eq3A_11 = arith.cmpf oeq, %slice3A, %eq3A_10 : vector<400x1xf32>
    %jit3A = arith.constant 1.000000e+00 : f32
    %broadcast_in_dim3A = vector.broadcast %jit3A : f32 to vector<400x1xf32>
    %select_n3A = arith.select %eq3A_11, %broadcast_in_dim3A, %slice3A : vector<400x1xi1>, vector<400x1xf32>
    %div3A = vector.broadcast %select_n3A : vector<400x1xf32> to vector<400x128xf32>
    %div3A_12 = arith.divf %slice3A_9, %div3A : vector<400x128xf32>
    %get3A_13 = arith.constant 0 : index
    %get3A_14 = arith.constant 0 : index
    %get3A_15 = vector.load %arg1[%get3A_13, %get3A_14] : memref<400x128xf32, #tpu.memory_space<vmem>>, vector<400x128xf32>
    %get3A_16 = arith.constant 0 : index
    %get3A_17 = arith.constant 0 : index
    %get3A_18 = vector.load %arg3[%get3A_16, %get3A_17] : memref<128x128xf32, #tpu.memory_space<vmem>>, vector<128x128xf32>
    %dot_general3A = arith.constant dense<0.000000e+00> : vector<400x128xf32>
    %dot_general3A_19 = tpu.matmul %get3A_15, %get3A_18, %dot_general3A {dimension_numbers = #tpu.dot_dimension_numbers<[1], [0], [0], [1], [0, 0, 1, 1], [], []>, transpose_lhs_hint = false} : vector<400x128xf32>, vector<128x128xf32>, vector<400x128xf32> -> vector<400x128xf32>
    %get3A_20 = arith.constant 0 : index
    %get3A_21 = arith.constant 0 : index
    %get3A_22 = vector.load %arg4[%get3A_20, %get3A_21] : memref<128x128xf32, #tpu.memory_space<vmem>>, vector<128x128xf32>
    %dot_general3A_23 = arith.constant dense<0.000000e+00> : vector<400x128xf32>
    %dot_general3A_24 = tpu.matmul %div3A_12, %get3A_22, %dot_general3A_23 {dimension_numbers = #tpu.dot_dimension_numbers<[1], [0], [0], [1], [0, 0, 1, 1], [], []>, transpose_lhs_hint = false} : vector<400x128xf32>, vector<128x128xf32>, vector<400x128xf32> -> vector<400x128xf32>
    %add3A_25 = arith.addf %dot_general3A_19, %dot_general3A_24 : vector<400x128xf32>
    %get3A_26 = arith.constant 0 : index
    %get3A_27 = arith.constant 0 : index
    %get3A_28 = vector.load %arg5[%get3A_26, %get3A_27] : memref<1x128xf32, #tpu.memory_space<vmem>>, vector<1x128xf32>
    %add3A_29 = vector.broadcast %get3A_28 : vector<1x128xf32> to vector<400x128xf32>
    %add3A_30 = arith.addf %add3A_25, %add3A_29 : vector<400x128xf32>
    %ge3A = arith.constant 0.000000e+00 : f32
    %ge3A_31 = vector.broadcast %ge3A : f32 to vector<400x128xf32>
    %ge3A_32 = arith.cmpf oge, %add3A_30, %ge3A_31 : vector<400x128xf32>
    %mul3A = arith.constant 0.00999999977 : f32
    %mul3A_33 = vector.broadcast %mul3A : f32 to vector<400x128xf32>
    %mul3A_34 = arith.mulf %mul3A_33, %add3A_30 : vector<400x128xf32>
    %select_n3A_35 = arith.select %ge3A_32, %add3A_30, %mul3A_34 : vector<400x128xi1>, vector<400x128xf32>
    %mul3A_36 = arith.mulf %select_n3A_35, %select_n3A_35 : vector<400x128xf32>
    %reduce_sum3A = arith.constant dense<0.000000e+00> : vector<400xf32>
    %reduce_sum3A_37 = vector.multi_reduction <add>, %mul3A_36, %reduce_sum3A [1] : vector<400x128xf32> to vector<400xf32>
    %broadcast_in_dim3A_38 = vector.shape_cast %reduce_sum3A_37 : vector<400xf32> to vector<400x1xf32>
    %sqrt3A = math.sqrt %broadcast_in_dim3A_38 : vector<400x1xf32>
    %eq3A_39 = arith.constant 0.000000e+00 : f32
    %eq3A_40 = vector.broadcast %eq3A_39 : f32 to vector<400x1xf32>
    %eq3A_41 = arith.cmpf oeq, %sqrt3A, %eq3A_40 : vector<400x1xf32>
    %jit3A_42 = arith.constant 1.000000e+00 : f32
    %broadcast_in_dim3A_43 = vector.broadcast %jit3A_42 : f32 to vector<400x1xf32>
    %select_n3A_44 = arith.select %eq3A_41, %broadcast_in_dim3A_43, %sqrt3A : vector<400x1xi1>, vector<400x1xf32>
    %div3A_45 = vector.broadcast %select_n3A_44 : vector<400x1xf32> to vector<400x128xf32>
    %div3A_46 = arith.divf %select_n3A_35, %div3A_45 : vector<400x128xf32>
    %swap3A = arith.constant 0 : index
    %swap3A_47 = arith.constant 0 : index
    %swap3A_48 = vector.load %arg6[%swap3A, %swap3A_47] : memref<400x128xf32, #tpu.memory_space<vmem>>, vector<400x128xf32>
    tpu.vector_store %arg6[%swap3A, %swap3A_47], %div3A_46 {strides = array<i32>} : memref<400x128xf32, #tpu.memory_space<vmem>>, vector<400x128xf32>,
    return
  }
  func.func @transform_0(%arg0: i32) -> (i32, i32) {
    %c0_i32 = arith.constant 0 : i32
    %c0_i32_0 = arith.constant 0 : i32
    return %arg0, %c0_i32 : i32, i32
  }
  func.func @transform_1(%arg0: i32) -> (i32, i32, i32) {
    %c0_i32 = arith.constant 0 : i32
    %c0_i32_0 = arith.constant 0 : i32
    %c0_i32_1 = arith.constant 0 : i32
    return %c0_i32, %arg0, %c0_i32_0 : i32, i32, i32
  }
  func.func @transform_2(%arg0: i32) -> (i32, i32) {
    %c0_i32 = arith.constant 0 : i32
    %c0_i32_0 = arith.constant 0 : i32
    %c0_i32_1 = arith.constant 0 : i32
    return %c0_i32, %c0_i32_0 : i32, i32
  }
  func.func @transform_3(%arg0: i32) -> (i32, i32) {
    %c0_i32 = arith.constant 0 : i32
    %c0_i32_0 = arith.constant 0 : i32
    %c0_i32_1 = arith.constant 0 : i32
    return %c0_i32, %c0_i32_0 : i32, i32
  }
  func.func @transform_4(%arg0: i32) -> (i32, i32) {
    %c0_i32 = arith.constant 0 : i32
    %c0_i32_0 = arith.constant 0 : i32
    %c0_i32_1 = arith.constant 0 : i32
    return %c0_i32, %c0_i32_0 : i32, i32
  }
  func.func @transform_5(%arg0: i32) -> (i32, i32) {
    %c0_i32 = arith.constant 0 : i32
    %c0_i32_0 = arith.constant 0 : i32
    return %arg0, %c0_i32 : i32, i32
  }
}

</mosaic_0001>

<sc_bundles>
// kernel: kernel.5.cloned.1.call-start
scs
__scs_entry_jumppad:
0x0: {  	(pc) =	sbr.rel $0x88, $3  }
0x1: {  	(tag) =	ssettag $0x0;
	lr =	simm.s32 $0x1  }
0x2: {  	[smem:$0x3F9A] =	sst lr;
	_ =	strace $0xD0000000  }
0x3: {  	_ = 	snop  }
0x4: {  	_ = 	snop  }
0x5: {  	_ = 	snop  }
0x6: {  	_ = 	snop  }
0x7: {  	_ = 	snop  }
__scs_overlays_trampoline_lowered:
0x8: {  	[smem:$0x3FA9] =	sst s0  }
0x9: {  	[smem:$0x3FAA] =	sst s1  }
0xa: {  	[smem:$0x3FAB] =	sst s2  }
0xb: {  	[smem:$0x3FAC] =	sst s3  }
0xc: {  	[smem:$0x3FAD] =	sst s4  }
0xd: {  	[smem:$0x3FAE] =	sst s5  }
0xe: {  	[smem:$0x3FAF] =	sst s6  }
0xf: {  	[smem:$0x3FB0] =	sst s7  }
0x10: {  	[smem:$0x3FB1] =	sst s8  }
0x11: {  	[smem:$0x3FB2] =	sst s9;
	s0 =	simm.s32 @!p0 $0x0  }
0x12: {  	s1 =	sld [smem:$0x3F98];
	s0 =	simm.s32 @p0 $0x1  }
0x13: {  	[smem:$0x3FB3] =	sst s0;
	s0 =	simm.s32 @!p1 $0x0  }
0x14: {  	s2 =	sld [smem:$0x3F97];
	s0 =	simm.s32 @p1 $0x1  }
0x15: {  	[smem:$0x3FB4] =	sst s0;
	s0 =	simm.s32 @!p2 $0x0  }
0x16: {  	s3 =	sld [smem:$0x3FDB];
	s0 =	simm.s32 @p2 $0x1  }
0x17: {  	s4 =	simm.s32 $0x1BF5;
	[smem:$0x3FB6] =	sst s0  }
0x18: {  	s0 =	sld [smem:$0x3F99];
	_ =	swait.ge [sflag:s4], $0x0  }
0x19: {  	s7 =	sld [smem:$0x3F9A]  }
0x1a: {  	s8 =	sadd.s32 $0xFFFFE003, lr  }
0x1b: {  	s9 =	sadd.s32 $0xFFFFFEF7, lr;
	s5 =	simm.s32 $0xFFFFFFFF;
	p2 =	slt.u32 s8, $0xFFFFF086  }
0x1c: {  	p1 =	slt.u32 s9, $0xF7A;
	s5 =	simm.s32 @!p2 $0x0  }
0x1d: {  	s5 =	simm.s32 @p1 $0x1;
	p0 =	seq.s32 s7, s2  }
0x1e: {  	s7 =	smul.u32 @!p0 $0xF7A, s2;
	p2 =	seq.s32 @!p0 s5, $0x0  }
0x1f: {  	s9 =	smul.u32 $0xF7A, s1;
	s8 =	simm.s32 @!p0 $0x1BF5;
	p2 =	por !p2, p0  }
0x20: {  	[sflag:s8] =	ssyncset.s32 @!p0 $0xFFFFF086;
	s6 =	sadd.s32 @!p0 s3, s7;
	s7 =	simm.s32 @!p0 $0x108  }
0x21: {  	s3 =	sadd.s32 s3, s9;
	s6 =	sadd.s32 @!p0 $0x88, s6;
	s7 =	simm.s32 @p2 $0x1082  }
0x22: {  	[simem:s7], [sflag:s8] =	dma.local @!p0 [hbm:s6], $0xF7A  }
0x23: {  	s9 =	sor.u32 $0xD0000000, s2;
	s6 =	simm.s32 $0x108;
	_ =	swait.ge @!p0 [sflag:s8], $0x0  }
0x24: {  	s3 =	sadd.s32 $0x88, s3;
	s6 =	simm.s32 @!p1 $0x1082;
	[sflag:s4] =	ssyncset.s32 $0xFFFFF086  }
0x25: {  	[simem:s6], [sflag:s4] =	dma.local [hbm:s3], $0xF7A  }
0x26: {  	[smem:$0x3F9A] =	sst s1;
	(tag) =	ssettag s2;
	_ =	strace s9  }
0x27: {  	s1 =	sld [smem:$0x3FAA]  }
0x28: {  	s2 =	sld [smem:$0x3FAB]  }
0x29: {  	s4 =	sld [smem:$0x3FAD]  }
0x2a: {  	p0 =	seq.s32 s5, $0x0;
	s5 =	sld [smem:$0x3FAE]  }
0x2b: {  	s6 =	sld [smem:$0x3FAF]  }
0x2c: {  	s7 =	sld [smem:$0x3FB0]  }
0x2d: {  	s3 =	simm.s32 $0x108;
	s8 =	sld [smem:$0x3FB1]  }
0x2e: {  	s3 =	simm.s32 @!p0 $0x1082;
	s9 =	sld [smem:$0x3FB2]  }
0x2f: {  	lr =	sadd.s32 s0, s3;
	s0 =	sld [smem:$0x3FA9]  }
0x30: {  	s3 =	sld [smem:$0x3FAC]  }
0x31: {  	[smem:$0x3FB5] =	sst s10  }
0x32: {  	s10 =	sld [smem:$0x3FB3];
	_ =	sdelay $0x3  }
0x33: {  	p0 =	seq.s32 s10, $0x1;
	s10 =	sld [smem:$0x3FB5];
	_ =	sdelay $0x3  }
0x34: {  	[smem:$0x3FB5] =	sst s10  }
0x35: {  	s10 =	sld [smem:$0x3FB4];
	_ =	sdelay $0x3  }
0x36: {  	p1 =	seq.s32 s10, $0x1;
	s10 =	sld [smem:$0x3FB5];
	_ =	sdelay $0x3  }
0x37: {  	[smem:$0x3FB5] =	sst s10  }
0x38: {  	s10 =	sld [smem:$0x3FB6]  }
0x39: {  	_ = 	snop;
	(pc) =	sbr.ind lr, $3  }
0x3a: {  	_ = 	snop  }
0x3b: {  	_ = 	snop  }
0x3c: {  	p2 =	seq.s32 s10, $0x1;
	s10 =	sld [smem:$0x3FB5]  }
0x3d: {  	_ =	shalt  }
0x3e: {  	_ =	shalt  }
0x3f: {  	_ =	shalt  }
0x40: {  	_ =	shalt  }
0x41: {  	_ =	shalt  }
0x42: {  	_ =	shalt  }
0x43: {  	_ =	shalt  }
0x44: {  	_ =	shalt  }
0x45: {  	_ =	shalt  }
0x46: {  	_ =	shalt  }
0x47: {  	_ =	shalt  }
0x48: {  	_ =	shalt  }
0x49: {  	_ =	shalt  }
0x4a: {  	_ =	shalt  }
0x4b: {  	_ =	shalt  }
0x4c: {  	_ =	shalt  }
0x4d: {  	_ =	shalt  }
0x4e: {  	_ =	shalt  }
0x4f: {  	_ =	shalt  }
0x50: {  	_ =	shalt  }
0x51: {  	_ =	shalt  }
0x52: {  	_ =	shalt  }
0x53: {  	_ =	shalt  }
0x54: {  	_ =	shalt  }
0x55: {  	_ =	shalt  }
0x56: {  	_ =	shalt  }
0x57: {  	_ =	shalt  }
0x58: {  	_ =	shalt  }
0x59: {  	_ =	shalt  }
0x5a: {  	_ =	shalt  }
0x5b: {  	_ =	shalt  }
0x5c: {  	_ =	shalt  }
0x5d: {  	_ =	shalt  }
0x5e: {  	_ =	shalt  }
0x5f: {  	_ =	shalt  }
0x60: {  	_ =	shalt  }
0x61: {  	_ =	shalt  }
0x62: {  	_ =	shalt  }
0x63: {  	_ =	shalt  }
0x64: {  	_ =	shalt  }
0x65: {  	_ =	shalt  }
0x66: {  	_ =	shalt  }
0x67: {  	_ =	shalt  }
0x68: {  	_ =	shalt  }
0x69: {  	_ =	shalt  }
0x6a: {  	_ =	shalt  }
0x6b: {  	_ =	shalt  }
0x6c: {  	_ =	shalt  }
0x6d: {  	_ =	shalt  }
0x6e: {  	_ =	shalt  }
0x6f: {  	_ =	shalt  }
0x70: {  	_ =	shalt  }
0x71: {  	_ =	shalt  }
0x72: {  	_ =	shalt  }
0x73: {  	_ =	shalt  }
0x74: {  	_ =	shalt  }
0x75: {  	_ =	shalt  }
0x76: {  	_ =	shalt  }
0x77: {  	_ =	shalt  }
0x78: {  	_ =	shalt  }
0x79: {  	_ =	shalt  }
0x7a: {  	_ =	shalt  }
0x7b: {  	_ =	shalt  }
0x7c: {  	_ =	shalt  }
0x7d: {  	_ =	shalt  }
0x7e: {  	_ =	shalt  }
0x7f: {  	_ =	shalt  }
0x80: {  	_ =	shalt  }
0x81: {  	_ =	shalt  }
0x82: {  	_ =	shalt  }
0x83: {  	_ =	shalt  }
0x84: {  	_ =	shalt  }
0x85: {  	_ =	shalt  }
0x86: {  	_ =	shalt  }
0x87: {  	_ =	shalt  }
.Lfunc_end0:
.L_simem_size_0:
called_computation_lowered:
.L_overlay_start_0:
0x88: {  	s2 =	sld [smem:$0x3FD9]  }
0x89: {  	s3 =	sld [smem:$0x3FFE];
	_ =	sdelay $0x1  }
0x8a: {  	s1 =	srdreg.scid  }
0x8b: {  	s0 =	sand.u32 $0x1, s1  }
0x8c: {  	s17 =	sshll.u32 s0, $0xA;
	s2 =	sadd.s32 s3, s2  }
0x8d: {  	s2 =	sadd.s32 s2, s17  }
0x8e: {  	[smem:$0x3FC1] =	sst s2  }
0x8f: {  	_ = 	snop  }
0x90: {  	s2 =	sld [smem:$0x3FD0];
	(tm) =	ssettm $0x1  }
0x91: {  	s18 =	sld [smem:$0x3FFB];
	_ =	sdelay $0x3  }
0x92: {  	_ =	strace s18  }
0x93: {  	s3 =	sld [smem:$0x3FFC];
	_ =	sdelay $0x3  }
0x94: {  	_ =	strace s3  }
0x95: {  	s3 =	sld [smem:$0x3FFD];
	_ =	sdelay $0x3  }
0x96: {  	_ =	strace s3  }
0x97: {  	_ =	strace $0x8FFFFFFF  }
0x98: {  	s19 =	sld [smem:$0x3FDB];
	_ =	sdelay $0x1  }
0x99: {  	s4 =	simm.s32 $_scs_section_size  }
0x9a: {  	s5 =	simm.s32 $_size__tile_overlayer_lowered;
	s6 =	simm.s32 $_tile_overlayer_lowered  }
0x9b: {  	s22 =	simm.s32 $0x1BFF;
	s21 =	sshll.u32 s6, $0x1;
	s3 =	sadd.s32 s4, s19  }
0x9c: {  	s7 =	simm.s32 $0x0;
	s20 =	sshll.u32 s5, $0x1;
	s5 =	sadd.s32 s21, s3  }
0x9d: {  	[timem:s7], [sflag:s22] =	dma.local [hbm:s5], s20  }
0x9e: {  	_ =	swait.ge [sflag:s22], s20  }
0x9f: {  	s4 =	ssub.s32 $0x0, s20;
	[sflag:s22] =	ssyncset.done $0x0  }
0xa0: {  	[sflag:s22] =	ssyncadd.s32 s4;
	_ =	sdelay $0x1  }
0xa1: {  	s23 =	simm.s32 $0x1B8B  }
0xa2: {  	_ =	swait.ge [sflag:s23], $0x1  }
0xa3: {  	[sflag:s23] =	ssyncset.done $0x0  }
0xa4: {  	s25 =	simm.s32 $0x1B8E;
	s24 =	sld [smem:$0x3FFE];
	[sflag:s23] =	ssyncadd.s32 $0xFFFFFFFF  }
0xa5: {  	s26 =	simm.s32 $execute0_lowered;
	[smem:$0x3FD2] =	sst s25  }
0xa6: {  	s5 =	sshll.u32 s26, $0x1;
	_ =	strace $0x80000046;
	[dreg:$0x1] =	wrdreg $0xFFFFFFFF  }
0xa7: {  	s28 =	simm.s32 $_size_execute0_lowered;
	s3 =	sadd.s32 s3, s5;
	[dreg:$0x0] =	wrdreg $0x0  }
0xa8: {  	s5 =	sshll.u32 s28, $0x1;
	[dreg:$0x2] =	wrdreg s3  }
0xa9: {  	[dreg:$0x3] =	wrdreg s5  }
0xaa: {  	[dreg:$0x4] =	wrdreg $0xC0  }
0xab: {  	_ =	task [dreg:s7], $0x5FFFF  }
0xac: {  	[dreg:$0x1] =	wrdreg $0xFFFFFFFF  }
0xad: {  	[dreg:$0x0] =	wrdreg $0x60  }
0xae: {  	[dreg:$0x2] =	wrdreg s2  }
0xaf: {  	[dreg:$0x3] =	wrdreg s24  }
0xb0: {  	[dreg:$0x4] =	wrdreg $0x49800  }
0xb1: {  	[dreg:$0x5] =	wrdreg $0x9  }
0xb2: {  	_ =	task.clear_ibuf [dreg:s7], $0x6FFFF;
	_ =	strace $0x90000046  }
0xb3: {  	s29 =	simm.s32 $0x9;
	_ =	strace $0x80000048  }
0xb4: {  	_ =	swait.ge [sflag:s29], $0x1  }
0xb5: {  	[sflag:s29] =	ssyncadd.s32 $0xFFFFFFFF  }
0xb6: {  	_ =	strace $0x90000048  }
0xb7: {  	_ =	sfence  }
0xb8: {  	s30 =	sld [smem:$0x0];
	_ =	sdelay $0x2  }
0xb9: {  	s31 =	sshll.u32 s1, $0xD;
	s1 =	sshrl.u32 s1, $0x2  }
0xba: {  	s3 =	sand.u32 $0x4000, s31;
	s1 =	sadd.s32 s1, s30  }
0xbb: {  	s0 =	sor.u32 s3, s0;
	s1 =	sshll.u32 s1, $0x11  }
0xbc: {  	s0 =	sor.u32 s1, s0  }
0xbd: {  	s0 =	sadd.s32 $0x8F2B, s0  }
0xbe: {  	[sflag:s0] =	ssyncadd.remote.s32 $0x1  }
0xbf: {  	_ =	sfence.sel $0xFFFF  }
0xc0: {  	[dreg:$0x0] =	wrdreg $0xFFFFFFFF;
	(pc) =	sbr.abs _section_cstart, $3  }
0xc1: {  	[dreg:$0x1] =	wrdreg $0xFFFFFFFF  }
0xc2: {  	_ =	task.clear_ibuf [dreg:s7], $0x2FFFF;
	_ =	strace $0x9FFFFFFF  }
0xc3: {  	(tm) =	ssettm $0x7FFFFFFF  }
tec
execute0_lowered:
.L_overlay_start_1:
0x0: {  	(tag) =	ssettag $0x1  }
0x1: {  	s1 =	rddreg [dreg:$0x0]  }
0x2: {  	s9 =	rddreg [dreg:$0x1]  }
0x3: {  	s3 =	rddreg [dreg:$0x2]  }
0x4: {  	s0 =	rddreg [dreg:$0x3]  }
0x5: {  	s5 =	srdreg.scid;
	s2 =	stileid.u32;
	s4 =	simm.s32 $0x0  }
0x6: {  	s16 =	simm.s32 $0x100;
	s17 =	simm.s32 $0x180;
	s18 =	simm.s32 $0x1  }
0x7: {  	s22 =	simm.s32 $0x0;
	s10 =	sand.u32 $0x1, s5;
	s11 =	smul.u32 $0x16800, s2  }
0x8: {  	[smem:$0x7FF] =	sst s4;
	s5 =	sadd.s32 $0xA00, s9;
	s6 =	sadd.s32 $0x36800, s9  }
0x9: {  	s31 =	sshll.u32 s2, $0x6;
	s7 =	smul.u32 $0x168000, s10;
	s13 =	ssub.s32 $0x2, s10  }
0xa: {  	v0 =	vlaneseq.u32;
	_ =	strace $0x80000047;
	s30 =	sshll.u32 s10, $0x4;
	s29 =	sshrl.u32 s13, $0x1  }
0xb: {  	v0 =	vmul.u32 $0x90, v0;
	s14 =	sor.u32 s2, s30;
	s15 =	sadd.s32 s11, s3;
	s8 =	sadd.s32 s11, s7  }
0xc: {  	s7 =	sadd.s32 $0xA800, s9;
	s13 =	ssub.s32 s13, s29;
	s12 =	sshrl.u32 s8, $0x3  }
0xd: {  	v1 =	vadd.s32 $0x900, v0;
	s10 =	smul.u32 $0x2780, s14;
	s14 =	simm.s32 $0x2;
	s12 =	sadd.s32 s12, s9  }
0xe: {  	v2 =	vadd.s32 $0x1200, v0;
	v3 =	vadd.s32 $0x1B00, v0;
	v4 =	vadd.s32 $0x2400, v0;
	s8 =	sadd.s32 $0x40600, s9;
	s9 =	sor.u32 $0x1C02, s31;
	s11 =	sadd.s32 $0x43400, s12  }
0xf: {  	v5 =	vadd.s32 $0x2D00, v0;
	v6 =	vadd.s32 $0x3600, v0;
	v7 =	vadd.s32 $0x3F00, v0;
	s12 =	smax.u32 s13, $0x1;
	s13 =	sshrl.u32 s15, $0x3;
	s15 =	simm.s32 $0x80  }
.LBB2_1:
0x10: {  	[spmem:s13], [sflag:s9] =	dma.local [hbm:s8], $0x2D00  }
0x11: {  	_ =	swait.ge [sflag:s14], $0x2D00  }
0x12: {  	[sflag:s14] =	ssyncset.done $0x0  }
0x13: {  	[sflag:s14] =	ssyncadd.s32 $0xFFFFD300  }
0x14: {  	s19 =	simm.s32 $0x0;
	[bflag:$0x0] =	sbarrier.arrive $0xFFFF  }
.LBB2_2:
0x15: {  	s20 =	sshll.u32 s19, $0x7  }
0x16: {  	s20 =	sadd.s32 s10, s20  }
0x17: {  	s20 =	sshrl.u32 s20, $0x3  }
0x18: {  	s21 =	sadd.s32 s1, s20  }
0x19: {  	[tilespmem:s22], [sflag:$0x2] =	stream.linear.gather [hbm4b:s21+s22], $0x80, $0x38;
	[tilespmem:$0x1B180] =	vst v63  }
0x1a: {  	_ =	swait.ge [sflag:s14], $0x80  }
0x1b: {  	[sflag:s14] =	ssyncset.done $0x0  }
0x1c: {  	s30 =	sadd.s32 s5, s20;
	[sflag:s14] =	ssyncadd.s32 $0xFFFFFF80  }
0x1d: {  	[tilespmem:s15], [sflag:$0x2] =	stream.linear.gather [hbm4b:s30+s22], $0x80, $0x38;
	[tilespmem:$0x1B180] =	vst v63  }
0x1e: {  	_ =	swait.ge [sflag:s14], $0x80  }
0x1f: {  	[sflag:s14] =	ssyncset.done $0x0  }
0x20: {  	s20 =	sadd.s32 s6, s20;
	[sflag:s14] =	ssyncadd.s32 $0xFFFFFF80  }
0x21: {  	[tilespmem:s16], [sflag:$0x2] =	stream.linear.gather [hbm4b:s20+s22], $0x80, $0x38;
	[tilespmem:$0x1B180] =	vst v63  }
0x22: {  	_ =	swait.ge [sflag:s14], $0x80  }
0x23: {  	v8 =	vmov s22;
	[sflag:s14] =	ssyncset.done $0x0  }
0x24: {  	v16 =	vand.u32 $0xFF, v8;
	[sflag:s14] =	ssyncadd.s32 $0xFFFFFF80  }
0x25: {  	v17 =	vadd.s32 v0, v16;
	[tilespmem:s17], [sflag:$0x1] =	stream.indirect.gather [hbm4b:s7+s15], $0x90, s22, s15, $0xb8;
	[tilespmem:$0x1B180] =	vst v63  }
0x26: {  	_ =	swait.ge [sflag:s18], $0x4800  }
0x27: {  	[sflag:s18] =	ssyncset.done $0x0  }
0x28: {  	[sflag:s18] =	ssyncadd.s32 $0xFFFFB800  }
0x29: {  	v15 =	vld [tilespmem:$0x100]  }
0x2a: {  	v8 =	vld.idx.msk [tilespmem:v17+s17+$0x0], $0xffff  }
0x2b: {  	v14 =	vld [tilespmem:$0x110]  }
0x2c: {  	v13 =	vld [tilespmem:$0x120]  }
0x2d: {  	v18 =	vadd.s32 v1, v16;
	v12 =	vld [tilespmem:$0x130]  }
0x2e: {  	v11 =	vld [tilespmem:$0x140]  }
0x2f: {  	v10 =	vld [tilespmem:$0x150];
	v19 =	vmul.f32 v8, v15  }
0x30: {  	v9 =	vld [tilespmem:$0x160]  }
0x31: {  	v8 =	vld [tilespmem:$0x170];
	[tilespmem:v17+s17+$0x0] =	vst.idx.msk $0xffff, v19  }
0x32: {  	v17 =	vld.idx.msk [tilespmem:v18+s17+$0x0], $0xffff;
	_ =	sdelay $0x2  }
0x33: {  	v19 =	vadd.s32 v2, v16;
	_ =	sdelay $0x1  }
0x34: {  	v17 =	vmul.f32 v17, v14;
	_ =	sdelay $0x1  }
0x35: {  	[tilespmem:v18+s17+$0x0] =	vst.idx.msk $0xffff, v17  }
0x36: {  	v17 =	vld.idx.msk [tilespmem:v19+s17+$0x0], $0xffff;
	_ =	sdelay $0x2  }
0x37: {  	v18 =	vadd.s32 v3, v16;
	_ =	sdelay $0x1  }
0x38: {  	v17 =	vmul.f32 v17, v13;
	_ =	sdelay $0x1  }
0x39: {  	[tilespmem:v19+s17+$0x0] =	vst.idx.msk $0xffff, v17  }
0x3a: {  	v17 =	vld.idx.msk [tilespmem:v18+s17+$0x0], $0xffff;
	_ =	sdelay $0x2  }
0x3b: {  	v19 =	vadd.s32 v4, v16;
	_ =	sdelay $0x1  }
0x3c: {  	v17 =	vmul.f32 v17, v12;
	_ =	sdelay $0x1  }
0x3d: {  	[tilespmem:v18+s17+$0x0] =	vst.idx.msk $0xffff, v17  }
0x3e: {  	v17 =	vld.idx.msk [tilespmem:v19+s17+$0x0], $0xffff;
	_ =	sdelay $0x2  }
0x3f: {  	v18 =	vadd.s32 v5, v16;
	_ =	sdelay $0x1  }
0x40: {  	v17 =	vmul.f32 v17, v11;
	_ =	sdelay $0x1  }
0x41: {  	[tilespmem:v19+s17+$0x0] =	vst.idx.msk $0xffff, v17  }
0x42: {  	v17 =	vld.idx.msk [tilespmem:v18+s17+$0x0], $0xffff;
	_ =	sdelay $0x2  }
0x43: {  	v19 =	vadd.s32 v6, v16;
	_ =	sdelay $0x1  }
0x44: {  	v17 =	vmul.f32 v17, v10;
	_ =	sdelay $0x1  }
0x45: {  	[tilespmem:v18+s17+$0x0] =	vst.idx.msk $0xffff, v17  }
0x46: {  	v18 =	vld.idx.msk [tilespmem:v19+s17+$0x0], $0xffff;
	_ =	sdelay $0x2  }
0x47: {  	v17 =	vadd.s32 v7, v16;
	_ =	sdelay $0x1  }
0x48: {  	v16 =	vmul.f32 v18, v9;
	_ =	sdelay $0x1  }
0x49: {  	[tilespmem:v19+s17+$0x0] =	vst.idx.msk $0xffff, v16  }
0x4a: {  	s31 =	simm.s32 $0x1;
	v19 =	vld.idx.msk [tilespmem:v17+s17+$0x0], $0xffff  }
0x4b: {  	v16 =	vmov s31  }
0x4c: {  	v16 =	vand.u32 $0xFF, v16  }
0x4d: {  	v18 =	vadd.s32 v0, v16;
	_ =	sdelay $0x1  }
0x4e: {  	s20 =	simm.s32 $0x2;
	v19 =	vmul.f32 v19, v8  }
.LBB2_3:
0x4f: {  	_ = 	snop  }
0x50: {  	p0 =	sne.s32 s20, $0x8F;
	s21 =	smov.u32 s20;
	s20 =	sadd.s32 $0x1, s20;
	[tilespmem:v17+s17+$0x0] =	vst.idx.msk $0xffff, v19  }
0x51: {  	v17 =	vld.idx.msk [tilespmem:v18+s17+$0x0], $0xffff;
	_ =	sdelay $0x3  }
0x52: {  	v19 =	vadd.s32 v1, v16;
	_ =	sdelay $0x1  }
0x53: {  	v17 =	vmul.f32 v17, v15;
	_ =	sdelay $0x1  }
0x54: {  	[tilespmem:v18+s17+$0x0] =	vst.idx.msk $0xffff, v17  }
0x55: {  	v17 =	vld.idx.msk [tilespmem:v19+s17+$0x0], $0xffff;
	_ =	sdelay $0x3  }
0x56: {  	v18 =	vadd.s32 v2, v16;
	_ =	sdelay $0x1  }
0x57: {  	v17 =	vmul.f32 v17, v14;
	_ =	sdelay $0x1  }
0x58: {  	[tilespmem:v19+s17+$0x0] =	vst.idx.msk $0xffff, v17  }
0x59: {  	v17 =	vld.idx.msk [tilespmem:v18+s17+$0x0], $0xffff;
	_ =	sdelay $0x3  }
0x5a: {  	v19 =	vadd.s32 v3, v16;
	_ =	sdelay $0x1  }
0x5b: {  	v17 =	vmul.f32 v17, v13;
	_ =	sdelay $0x1  }
0x5c: {  	[tilespmem:v18+s17+$0x0] =	vst.idx.msk $0xffff, v17  }
0x5d: {  	v17 =	vld.idx.msk [tilespmem:v19+s17+$0x0], $0xffff;
	_ =	sdelay $0x3  }
0x5e: {  	v18 =	vadd.s32 v4, v16;
	_ =	sdelay $0x1  }
0x5f: {  	v17 =	vmul.f32 v17, v12;
	_ =	sdelay $0x1  }
0x60: {  	[tilespmem:v19+s17+$0x0] =	vst.idx.msk $0xffff, v17  }
0x61: {  	v17 =	vld.idx.msk [tilespmem:v18+s17+$0x0], $0xffff;
	_ =	sdelay $0x3  }
0x62: {  	v19 =	vadd.s32 v5, v16;
	_ =	sdelay $0x1  }
0x63: {  	v17 =	vmul.f32 v17, v11;
	_ =	sdelay $0x1  }
0x64: {  	[tilespmem:v18+s17+$0x0] =	vst.idx.msk $0xffff, v17  }
0x65: {  	v17 =	vld.idx.msk [tilespmem:v19+s17+$0x0], $0xffff;
	_ =	sdelay $0x3  }
0x66: {  	v18 =	vadd.s32 v6, v16;
	_ =	sdelay $0x1  }
0x67: {  	v17 =	vmul.f32 v17, v10;
	_ =	sdelay $0x1  }
0x68: {  	[tilespmem:v19+s17+$0x0] =	vst.idx.msk $0xffff, v17  }
0x69: {  	v19 =	vld.idx.msk [tilespmem:v18+s17+$0x0], $0xffff;
	_ =	sdelay $0x3  }
0x6a: {  	v17 =	vadd.s32 v7, v16;
	_ =	sdelay $0x1  }
0x6b: {  	v16 =	vmul.f32 v19, v9;
	_ =	sdelay $0x1  }
0x6c: {  	[tilespmem:v18+s17+$0x0] =	vst.idx.msk $0xffff, v16  }
0x6d: {  	v19 =	vld.idx.msk [tilespmem:v17+s17+$0x0], $0xffff;
	_ =	sdelay $0x1  }
.Ltmp0:
0x6e: {  	v16 =	vmov s21;
	(pc) =	sbr.rel @p0 .LBB2_3-.Ltmp0, $3  }
0x6f: {  	v16 =	vand.u32 $0xFF, v16  }
0x70: {  	v18 =	vadd.s32 v0, v16;
	_ =	sdelay $0x1  }
0x71: {  	v19 =	vmul.f32 v19, v8  }
0x72: {  	_ =	sdelay $0x3  }
0x73: {  	[tilespmem:v17+s17+$0x0] =	vst.idx.msk $0xffff, v19  }
0x74: {  	v17 =	vld.idx.msk [tilespmem:v18+s17+$0x0], $0xffff;
	_ =	sdelay $0x2  }
0x75: {  	v57 =	vadd.s32 v1, v16;
	_ =	sdelay $0x1  }
0x76: {  	v15 =	vmul.f32 v17, v15;
	_ =	sdelay $0x1  }
0x77: {  	[tilespmem:v18+s17+$0x0] =	vst.idx.msk $0xffff, v15  }
0x78: {  	v15 =	vld.idx.msk [tilespmem:v57+s17+$0x0], $0xffff;
	_ =	sdelay $0x2  }
0x79: {  	v58 =	vadd.s32 v2, v16;
	_ =	sdelay $0x1  }
0x7a: {  	v14 =	vmul.f32 v15, v14;
	_ =	sdelay $0x1  }
0x7b: {  	[tilespmem:v57+s17+$0x0] =	vst.idx.msk $0xffff, v14  }
0x7c: {  	v14 =	vld.idx.msk [tilespmem:v58+s17+$0x0], $0xffff;
	_ =	sdelay $0x2  }
0x7d: {  	v59 =	vadd.s32 v3, v16;
	_ =	sdelay $0x1  }
0x7e: {  	v13 =	vmul.f32 v14, v13;
	_ =	sdelay $0x1  }
0x7f: {  	[tilespmem:v58+s17+$0x0] =	vst.idx.msk $0xffff, v13  }
0x80: {  	v13 =	vld.idx.msk [tilespmem:v59+s17+$0x0], $0xffff;
	_ =	sdelay $0x2  }
0x81: {  	v60 =	vadd.s32 v4, v16;
	_ =	sdelay $0x1  }
0x82: {  	v12 =	vmul.f32 v13, v12;
	_ =	sdelay $0x1  }
0x83: {  	[tilespmem:v59+s17+$0x0] =	vst.idx.msk $0xffff, v12  }
0x84: {  	v12 =	vld.idx.msk [tilespmem:v60+s17+$0x0], $0xffff;
	_ =	sdelay $0x2  }
0x85: {  	v61 =	vadd.s32 v5, v16;
	_ =	sdelay $0x1  }
0x86: {  	v11 =	vmul.f32 v12, v11;
	_ =	sdelay $0x1  }
0x87: {  	[tilespmem:v60+s17+$0x0] =	vst.idx.msk $0xffff, v11  }
0x88: {  	v11 =	vld.idx.msk [tilespmem:v61+s17+$0x0], $0xffff;
	_ =	sdelay $0x2  }
0x89: {  	v62 =	vadd.s32 v6, v16;
	_ =	sdelay $0x1  }
0x8a: {  	v10 =	vmul.f32 v11, v10;
	_ =	sdelay $0x1  }
0x8b: {  	[tilespmem:v61+s17+$0x0] =	vst.idx.msk $0xffff, v10  }
0x8c: {  	v10 =	vld.idx.msk [tilespmem:v62+s17+$0x0], $0xffff;
	_ =	sdelay $0x2  }
0x8d: {  	v63 =	vadd.s32 v7, v16;
	_ =	sdelay $0x1  }
0x8e: {  	v9 =	vmul.f32 v10, v9;
	_ =	sdelay $0x1  }
0x8f: {  	[tilespmem:v62+s17+$0x0] =	vst.idx.msk $0xffff, v9  }
0x90: {  	v9 =	vld.idx.msk [tilespmem:v63+s17+$0x0], $0xffff;
	_ =	sdelay $0x4  }
0x91: {  	s19 =	sadd.s32 $0x1, s19;
	v8 =	vmul.f32 v9, v8  }
0x92: {  	p0 =	sne.s32 s19, $0x4F  }
.Ltmp1:
0x93: {  	[tilespmem:v63+s17+$0x0] =	vst.idx.msk $0xffff, v8;
	(pc) =	sbr.rel @p0 .LBB2_2-.Ltmp1, $4  }
0x94: {  	[spmem:s3] =	stream.indirect.scatter.add.f32 [tilespmem:s17], [sflag:$0x2], $0x90, s15, s15, $0xb8;
	[tilespmem:$0x1B180] =	vst v63  }
0x95: {  	_ =	swait.ge [sflag:s14], $0x4800  }
0x96: {  	[sflag:s14] =	ssyncset.done $0x0  }
0x97: {  	[sflag:s14] =	ssyncadd.s32 $0xFFFFB800  }
0x98: {  	s4 =	sadd.s32 $0x1, s4  }
0x99: {  	p0 =	sne.s32 s4, s12  }
.Ltmp2:
0x9a: {  	[bflag:$0x0] =	sbarrier.arrive $0xFFFF;
	(pc) =	sbr.rel @p0 .LBB2_1-.Ltmp2, $4  }
0x9b: {  	[hbm:s11], [sflag:s9] =	dma.local [spmem:s13], $0x2D00  }
0x9c: {  	_ =	swait.ge [sflag:s14], $0x2D00  }
0x9d: {  	[sflag:s14] =	ssyncset.done $0x0  }
0x9e: {  	[sflag:s14] =	ssyncadd.s32 $0xFFFFD300  }
0x9f: {  	_ =	sfence.sel $0x180000  }
0xa0: {  	[bflag:$0x0] =	sbarrier.arrive $0xFFFF  }
0xa1: {  	p0 =	sne.s32 s2, $0x0;
	_ =	strace $0x90000047  }
0xa2: {  	s0 =	sadd.s32 @!p0 $0x100000, s0;
	[bflag:$0x2] =	sbarrier.arrive $0xFFFF  }
0xa3: {  	[sflag:s0] =	ssyncadd.tile.s32 @!p0 $0x1;
	_ =	shalt  }
.Lfunc_end2:
_tile_overlayer_lowered:
.L_overlay_start_2:
0xa4: {  	(tag) =	ssettag $0x2  }
0xa5: {  	s0 =	rddreg [dreg:$0x0];
	s2 =	stileid.u32  }
0xa6: {  	s1 =	rddreg [dreg:$0x1];
	p0 =	sne.s32 s2, $0x0  }
0xa7: {  	s3 =	rddreg [dreg:$0x2];
	[bflag:$0x3] =	sbarrier.arrive $0xFFFF;
	s2 =	simm.s32 @!p0 $0x1C02  }
0xa8: {  	[timem:s3], [sflag:s2] =	dma.local @!p0 [hbm:s0], s1  }
0xa9: {  	s0 =	simm.s32 @!p0 $0x2  }
0xaa: {  	_ =	swait.ge @!p0 [sflag:s0], s1  }
0xab: {  	s1 =	ssub.s32 @!p0 $0x0, s1;
	[sflag:s0] =	ssyncset.done @!p0 $0x0  }
0xac: {  	[sflag:s0] =	ssyncadd.s32 @!p0 s1  }
0xad: {  	[bflag:$0x3] =	sbarrier.arrive $0xFFFF  }
0xae: {  	_ =	shalt  }

</sc_bundles>
